<compile_context>
chip_gen: v7x
topology: tpu7x:2x2x1
jax: 0.10.2.dev20260603
libtpu: 0.0.44.dev20260713+nightly
codegen_flags: <defaults>
</compile_context>

<pallas_src>
import functools

import jax
import jax.numpy as jnp
import numpy as np
from jax import lax
from jax.experimental import pallas as pl

_NUM_CLASSES = 80
_C = _NUM_CLASSES + 6
_G = 64
_GG = _G * _G
_NA = 18
_SCALE_XY = 1.05
_STRIDE = 8.0
_ANCHORS_W = np.array([12.0, 19.0, 40.0], dtype=np.float32)
_ANCHORS_H = np.array([16.0, 36.0, 28.0], dtype=np.float32)
_PI6 = 0.5235987755982988


def _body(x_ref, o_ref):
    ba = pl.program_id(0)
    a = ba % _NA
    ai = a // 6
    aj = a % 6
    aw8 = jnp.where(ai == 0, 12.0, jnp.where(ai == 1, 19.0, 40.0))
    ah8 = jnp.where(ai == 0, 16.0, jnp.where(ai == 1, 36.0, 28.0))
    aa = (aj.astype(jnp.float32) - 2.0) * np.float32(_PI6)

    v = x_ref[0]
    ci = lax.broadcasted_iota(jnp.int32, (_C, _GG), 0)
    gi = lax.broadcasted_iota(jnp.int32, (_C, _GG), 1)
    gx = (gi % _G).astype(jnp.float32)
    gy = (gi // _G).astype(jnp.float32)
    s = 1.0 / (1.0 + jnp.exp(-v))
    ex = jnp.exp(v)
    sxy = s * np.float32(_SCALE_XY * _STRIDE)
    off = np.float32((_SCALE_XY - 1.0) / 2.0 * _STRIDE)
    r = jnp.where(
        ci == 0, sxy + gx * np.float32(_STRIDE) - off,
        jnp.where(
            ci == 1, sxy + gy * np.float32(_STRIDE) - off,
            jnp.where(
                ci == 2, ex * aw8,
                jnp.where(ci == 3, ex * ah8, jnp.where(ci == 4, v + aa, s)))))
    o_ref[0] = r.T


def kernel(output):
    B = output.shape[0]
    ba_total = B * _NA
    x = output.reshape(ba_total, _C, _GG)
    out = pl.pallas_call(
        _body,
        grid=(ba_total,),
        in_specs=[pl.BlockSpec((1, _C, _GG), lambda i: (i, 0, 0))],
        out_specs=pl.BlockSpec((1, _GG, _C), lambda i: (i, 0, 0)),
        out_shape=jax.ShapeDtypeStruct((ba_total, _GG, _C), jnp.float32),
    )(x)
    return out.reshape(B, _NA * _GG, _C)

# --- scband reference (transcript-rebuilt; emitter-appended) ---
"""Pipeline reference for scband-yolov4-layer-33466385170571 (READ-ONLY COPY).

The authoritative reference and input builder live on the scoring server;
editing this copy changes nothing except your own understanding.
"""

import jax, jax.numpy as jnp
import numpy as np

NUM_CLASSES = 80
ANCHORS = [[12.0, 16.0], [19.0, 36.0], [40.0, 28.0]]
ANGLES = [-1.0471975511965976, -0.5235987755982988, 0.0, 0.5235987755982988, 1.0471975511965976, 1.5707963267948966]
STRIDE = 8
SCALE_XY = 1.05
MASKED = np.array([(aw / STRIDE, ah / STRIDE, a) for aw, ah in ANCHORS for a in ANGLES], dtype=np.float32)
NA = MASKED.shape[0]


def setup_inputs(seed: int = 0) -> dict:
    key = jax.random.key(seed)
    output = jax.random.normal(key, (8, NA * (NUM_CLASSES + 6), 64, 64), dtype=jnp.float32)
    return {"output": output}


def reference(output):
    B = output.shape[0]
    G = output.shape[2]
    prediction = output.reshape(B, NA, NUM_CLASSES + 6, G, G).transpose(0, 1, 3, 4, 2)
    pred_x = jax.nn.sigmoid(prediction[..., 0]) * SCALE_XY - (SCALE_XY - 1) / 2
    pred_y = jax.nn.sigmoid(prediction[..., 1]) * SCALE_XY - (SCALE_XY - 1) / 2
    pred_w = prediction[..., 2]
    pred_h = prediction[..., 3]
    pred_a = prediction[..., 4]
    pred_conf = jax.nn.sigmoid(prediction[..., 5])
    pred_cls = jax.nn.sigmoid(prediction[..., 6:])
    grid_x = jnp.tile(jnp.arange(G, dtype=jnp.float32), (G, 1)).reshape(1, 1, G, G)
    grid_y = jnp.tile(jnp.arange(G, dtype=jnp.float32), (G, 1)).T.reshape(1, 1, G, G)
    ma = jnp.asarray(MASKED)
    anchor_w = ma[:, 0].reshape(1, NA, 1, 1)
    anchor_h = ma[:, 1].reshape(1, NA, 1, 1)
    anchor_a = ma[:, 2].reshape(1, NA, 1, 1)
    bx = pred_x + grid_x
    by = pred_y + grid_y
    bw = jnp.exp(pred_w) * anchor_w
    bh = jnp.exp(pred_h) * anchor_h
    ba = pred_a + anchor_a
    pred_boxes = jnp.stack([bx, by, bw, bh], axis=-1)
    out = jnp.concatenate([
        pred_boxes.reshape(B, -1, 4) * STRIDE,
        ba.reshape(B, -1, 1),
        pred_conf.reshape(B, -1, 1),
        pred_cls.reshape(B, -1, NUM_CLASSES),
    ], axis=-1)
    return out

if __name__ == "__main__":
    import jax
    _d = setup_inputs()
    print(jax.jit(kernel)(*tuple(_d.values())))

</pallas_src>

<mosaic_0001>
module attributes {stable_mosaic.version = 14 : i64} {
  func.func @_body(%arg0: i32, %arg1: memref<1x86x4096xf32, #tpu.memory_space<vmem>>, %arg2: memref<1x4096x86xf32, #tpu.memory_space<vmem>>) attributes {dimension_semantics = [#tpu.dimension_semantics<arbitrary>], iteration_bounds = array<i64: 144>, scalar_prefetch = 0 : i64, scratch_operands = 0 : i64, tpu.core_type = #tpu.core_type<tc>, window_params = [{transform_indices = @transform_0, window_bounds = array<i64: 1, 86, 4096>}, {transform_indices = @transform_1, window_bounds = array<i64: 1, 4096, 86>}]} {
    %jit3A = arith.constant 18 : i32
    %eq3A = arith.constant 0 : i32
    %eq3A_0 = arith.cmpi eq, %jit3A, %eq3A : i32
    %jit3A_1 = arith.constant 1 : i32
    %select_n3A = arith.select %eq3A_0, %jit3A_1, %jit3A : i32
    %rem3A = arith.remsi %arg0, %select_n3A : i32
    %ne3A = arith.constant 0 : i32
    %ne3A_2 = arith.cmpi ne, %rem3A, %ne3A : i32
    %lt3A = arith.constant 0 : i32
    %lt3A_3 = arith.cmpi slt, %rem3A, %lt3A : i32
    %lt3A_4 = arith.constant 0 : i32
    %lt3A_5 = arith.cmpi slt, %select_n3A, %lt3A_4 : i32
    %ne3A_6 = arith.xori %lt3A_3, %lt3A_5 : i1
    %and3A = arith.andi %ne3A_6, %ne3A_2 : i1
    %add3A = arith.addi %rem3A, %select_n3A : i32
    %select_n3A_7 = arith.select %and3A, %add3A, %rem3A : i32
    %jit3A_8 = arith.constant 6 : i32
    %div3A = arith.divsi %select_n3A_7, %jit3A_8 : i32
    %sign3A = arith.constant 0 : i32
    %sign3A_9 = arith.cmpi sgt, %select_n3A_7, %sign3A : i32
    %sign3A_10 = arith.extui %sign3A_9 : i1 to i32
    %sign3A_11 = arith.constant 0 : i32
    %sign3A_12 = arith.cmpi slt, %select_n3A_7, %sign3A_11 : i32
    %sign3A_13 = arith.extui %sign3A_12 : i1 to i32
    %sign3A_14 = arith.subi %sign3A_10, %sign3A_13 : i32
    %sign3A_15 = arith.constant 0 : i32
    %sign3A_16 = arith.cmpi sgt, %jit3A_8, %sign3A_15 : i32
    %sign3A_17 = arith.extui %sign3A_16 : i1 to i32
    %sign3A_18 = arith.constant 0 : i32
    %sign3A_19 = arith.cmpi slt, %jit3A_8, %sign3A_18 : i32
    %sign3A_20 = arith.extui %sign3A_19 : i1 to i32
    %sign3A_21 = arith.subi %sign3A_17, %sign3A_20 : i32
    %ne3A_22 = arith.cmpi ne, %sign3A_14, %sign3A_21 : i32
    %rem3A_23 = arith.remsi %select_n3A_7, %jit3A_8 : i32
    %ne3A_24 = arith.constant 0 : i32
    %ne3A_25 = arith.cmpi ne, %rem3A_23, %ne3A_24 : i32
    %and3A_26 = arith.andi %ne3A_22, %ne3A_25 : i1
    %sub3A = arith.constant 1 : i32
    %sub3A_27 = arith.subi %div3A, %sub3A : i32
    %select_n3A_28 = arith.select %and3A_26, %sub3A_27, %div3A : i32
    %jit3A_29 = arith.constant 6 : i32
    %eq3A_30 = arith.constant 0 : i32
    %eq3A_31 = arith.cmpi eq, %jit3A_29, %eq3A_30 : i32
    %jit3A_32 = arith.constant 1 : i32
    %select_n3A_33 = arith.select %eq3A_31, %jit3A_32, %jit3A_29 : i32
    %rem3A_34 = arith.remsi %select_n3A_7, %select_n3A_33 : i32
    %ne3A_35 = arith.constant 0 : i32
    %ne3A_36 = arith.cmpi ne, %rem3A_34, %ne3A_35 : i32
    %lt3A_37 = arith.constant 0 : i32
    %lt3A_38 = arith.cmpi slt, %rem3A_34, %lt3A_37 : i32
    %lt3A_39 = arith.constant 0 : i32
    %lt3A_40 = arith.cmpi slt, %select_n3A_33, %lt3A_39 : i32
    %ne3A_41 = arith.xori %lt3A_38, %lt3A_40 : i1
    %and3A_42 = arith.andi %ne3A_41, %ne3A_36 : i1
    %add3A_43 = arith.addi %rem3A_34, %select_n3A_33 : i32
    %select_n3A_44 = arith.select %and3A_42, %add3A_43, %rem3A_34 : i32
    %eq3A_45 = arith.constant 0 : i32
    %eq3A_46 = arith.cmpi eq, %select_n3A_28, %eq3A_45 : i32
    %eq3A_47 = arith.constant 1 : i32
    %eq3A_48 = arith.cmpi eq, %select_n3A_28, %eq3A_47 : i32
    %jit3A_49 = arith.constant 1.900000e+01 : f32
    %jit3A_50 = arith.constant 4.000000e+01 : f32
    %select_n3A_51 = arith.select %eq3A_48, %jit3A_49, %jit3A_50 : f32
    %jit3A_52 = arith.constant 1.200000e+01 : f32
    %select_n3A_53 = arith.select %eq3A_46, %jit3A_52, %select_n3A_51 : f32
    %eq3A_54 = arith.constant 0 : i32
    %eq3A_55 = arith.cmpi eq, %select_n3A_28, %eq3A_54 : i32
    %eq3A_56 = arith.constant 1 : i32
    %eq3A_57 = arith.cmpi eq, %select_n3A_28, %eq3A_56 : i32
    %jit3A_58 = arith.constant 3.600000e+01 : f32
    %jit3A_59 = arith.constant 2.800000e+01 : f32
    %select_n3A_60 = arith.select %eq3A_57, %jit3A_58, %jit3A_59 : f32
    %jit3A_61 = arith.constant 1.600000e+01 : f32
    %select_n3A_62 = arith.select %eq3A_55, %jit3A_61, %select_n3A_60 : f32
    %convert_element_type3A = arith.sitofp %select_n3A_44 : i32 to f32
    %sub3A_63 = arith.constant 2.000000e+00 : f32
    %sub3A_64 = arith.subf %convert_element_type3A, %sub3A_63 : f32
    %mul3A = arith.constant 0.52359879 : f32
    %mul3A_65 = arith.mulf %sub3A_64, %mul3A : f32
    %get3A = arith.constant 0 : index
    %get3A_66 = arith.constant 0 : index
    %get3A_67 = arith.constant 0 : index
    %get3A_68 = vector.load %arg1[%get3A, %get3A_66, %get3A_67] : memref<1x86x4096xf32, #tpu.memory_space<vmem>>, vector<1x86x4096xf32>
    %get3A_69 = vector.shape_cast %get3A_68 : vector<1x86x4096xf32> to vector<86x4096xf32>
    %iota3A = tpu.iota {dimensions = array<i32: 0>} : vector<86x4096xi32>
    %iota3A_70 = tpu.iota {dimensions = array<i32: 1>} : vector<86x4096xi32>
    %jit3A_71 = arith.constant 64 : i32
    %eq3A_72 = arith.constant 0 : i32
    %eq3A_73 = arith.cmpi eq, %jit3A_71, %eq3A_72 : i32
    %jit3A_74 = arith.constant 1 : i32
    %select_n3A_75 = arith.select %eq3A_73, %jit3A_74, %jit3A_71 : i32
    %rem3A_76 = vector.broadcast %select_n3A_75 : i32 to vector<86x4096xi32>
    %rem3A_77 = arith.remsi %iota3A_70, %rem3A_76 : vector<86x4096xi32>
    %ne3A_78 = arith.constant 0 : i32
    %ne3A_79 = vector.broadcast %ne3A_78 : i32 to vector<86x4096xi32>
    %ne3A_80 = arith.cmpi ne, %rem3A_77, %ne3A_79 : vector<86x4096xi32>
    %lt3A_81 = arith.constant 0 : i32
    %lt3A_82 = vector.broadcast %lt3A_81 : i32 to vector<86x4096xi32>
    %lt3A_83 = arith.cmpi slt, %rem3A_77, %lt3A_82 : vector<86x4096xi32>
    %lt3A_84 = arith.constant 0 : i32
    %lt3A_85 = arith.cmpi slt, %select_n3A_75, %lt3A_84 : i32
    %ne3A_86 = vector.broadcast %lt3A_85 : i1 to vector<86x4096xi1>
    %ne3A_87 = vector.broadcast %ne3A_86 : vector<86x4096xi1> to vector<86x4096xi1>
    %ne3A_88 = arith.xori %lt3A_83, %ne3A_87 : vector<86x4096xi1>
    %and3A_89 = arith.andi %ne3A_88, %ne3A_80 : vector<86x4096xi1>
    %add3A_90 = vector.broadcast %select_n3A_75 : i32 to vector<86x4096xi32>
    %add3A_91 = arith.addi %rem3A_77, %add3A_90 : vector<86x4096xi32>
    %select_n3A_92 = arith.select %and3A_89, %add3A_91, %rem3A_77 : vector<86x4096xi1>, vector<86x4096xi32>
    %convert_element_type3A_93 = arith.sitofp %select_n3A_92 : vector<86x4096xi32> to vector<86x4096xf32>
    %jit3A_94 = arith.constant 64 : i32
    %div3A_95 = vector.broadcast %jit3A_94 : i32 to vector<86x4096xi32>
    %div3A_96 = arith.divsi %iota3A_70, %div3A_95 : vector<86x4096xi32>
    %sign3A_97 = arith.constant 0 : i32
    %sign3A_98 = vector.broadcast %sign3A_97 : i32 to vector<86x4096xi32>
    %sign3A_99 = arith.cmpi sgt, %iota3A_70, %sign3A_98 : vector<86x4096xi32>
    %sign3A_100 = arith.extui %sign3A_99 : vector<86x4096xi1> to vector<86x4096xi32>
    %sign3A_101 = arith.constant 0 : i32
    %sign3A_102 = vector.broadcast %sign3A_101 : i32 to vector<86x4096xi32>
    %sign3A_103 = arith.cmpi slt, %iota3A_70, %sign3A_102 : vector<86x4096xi32>
    %sign3A_104 = arith.extui %sign3A_103 : vector<86x4096xi1> to vector<86x4096xi32>
    %sign3A_105 = arith.subi %sign3A_100, %sign3A_104 : vector<86x4096xi32>
    %sign3A_106 = arith.constant 0 : i32
    %sign3A_107 = arith.cmpi sgt, %jit3A_94, %sign3A_106 : i32
    %sign3A_108 = arith.extui %sign3A_107 : i1 to i32
    %sign3A_109 = arith.constant 0 : i32
    %sign3A_110 = arith.cmpi slt, %jit3A_94, %sign3A_109 : i32
    %sign3A_111 = arith.extui %sign3A_110 : i1 to i32
    %sign3A_112 = arith.subi %sign3A_108, %sign3A_111 : i32
    %ne3A_113 = vector.broadcast %sign3A_112 : i32 to vector<86x4096xi32>
    %ne3A_114 = arith.cmpi ne, %sign3A_105, %ne3A_113 : vector<86x4096xi32>
    %rem3A_115 = vector.broadcast %jit3A_94 : i32 to vector<86x4096xi32>
    %rem3A_116 = arith.remsi %iota3A_70, %rem3A_115 : vector<86x4096xi32>
    %ne3A_117 = arith.constant 0 : i32
    %ne3A_118 = vector.broadcast %ne3A_117 : i32 to vector<86x4096xi32>
    %ne3A_119 = arith.cmpi ne, %rem3A_116, %ne3A_118 : vector<86x4096xi32>
    %and3A_120 = arith.andi %ne3A_114, %ne3A_119 : vector<86x4096xi1>
    %sub3A_121 = arith.constant 1 : i32
    %sub3A_122 = vector.broadcast %sub3A_121 : i32 to vector<86x4096xi32>
    %sub3A_123 = arith.subi %div3A_96, %sub3A_122 : vector<86x4096xi32>
    %select_n3A_124 = arith.select %and3A_120, %sub3A_123, %div3A_96 : vector<86x4096xi1>, vector<86x4096xi32>
    %convert_element_type3A_125 = arith.sitofp %select_n3A_124 : vector<86x4096xi32> to vector<86x4096xf32>
    %neg3A = arith.constant 0.000000e+00 : f32
    %neg3A_126 = vector.broadcast %neg3A : f32 to vector<86x4096xf32>
    %neg3A_127 = arith.subf %neg3A_126, %get3A_69 : vector<86x4096xf32>
    %exp3A = math.exp %neg3A_127 : vector<86x4096xf32>
    %add3A_128 = arith.constant 1.000000e+00 : f32
    %add3A_129 = vector.broadcast %add3A_128 : f32 to vector<86x4096xf32>
    %add3A_130 = arith.addf %add3A_129, %exp3A : vector<86x4096xf32>
    %div3A_131 = arith.constant 1.000000e+00 : f32
    %div3A_132 = vector.broadcast %div3A_131 : f32 to vector<86x4096xf32>
    %div3A_133 = arith.divf %div3A_132, %add3A_130 : vector<86x4096xf32>
    %exp3A_134 = math.exp %get3A_69 : vector<86x4096xf32>
    %mul3A_135 = arith.constant 8.39999961 : f32
    %mul3A_136 = vector.broadcast %mul3A_135 : f32 to vector<86x4096xf32>
    %mul3A_137 = arith.mulf %div3A_133, %mul3A_136 : vector<86x4096xf32>
    %eq3A_138 = arith.constant 0 : i32
    %eq3A_139 = vector.broadcast %eq3A_138 : i32 to vector<86x4096xi32>
    %eq3A_140 = arith.cmpi eq, %iota3A, %eq3A_139 : vector<86x4096xi32>
    %mul3A_141 = arith.constant 8.000000e+00 : f32
    %mul3A_142 = vector.broadcast %mul3A_141 : f32 to vector<86x4096xf32>
    %mul3A_143 = arith.mulf %convert_element_type3A_93, %mul3A_142 : vector<86x4096xf32>
    %add3A_144 = arith.addf %mul3A_137, %mul3A_143 : vector<86x4096xf32>
    %sub3A_145 = arith.constant 2.000000e-01 : f32
    %sub3A_146 = vector.broadcast %sub3A_145 : f32 to vector<86x4096xf32>
    %sub3A_147 = arith.subf %add3A_144, %sub3A_146 : vector<86x4096xf32>
    %eq3A_148 = arith.constant 1 : i32
    %eq3A_149 = vector.broadcast %eq3A_148 : i32 to vector<86x4096xi32>
    %eq3A_150 = arith.cmpi eq, %iota3A, %eq3A_149 : vector<86x4096xi32>
    %mul3A_151 = arith.constant 8.000000e+00 : f32
    %mul3A_152 = vector.broadcast %mul3A_151 : f32 to vector<86x4096xf32>
    %mul3A_153 = arith.mulf %convert_element_type3A_125, %mul3A_152 : vector<86x4096xf32>
    %add3A_154 = arith.addf %mul3A_137, %mul3A_153 : vector<86x4096xf32>
    %sub3A_155 = arith.constant 2.000000e-01 : f32
    %sub3A_156 = vector.broadcast %sub3A_155 : f32 to vector<86x4096xf32>
    %sub3A_157 = arith.subf %add3A_154, %sub3A_156 : vector<86x4096xf32>
    %eq3A_158 = arith.constant 2 : i32
    %eq3A_159 = vector.broadcast %eq3A_158 : i32 to vector<86x4096xi32>
    %eq3A_160 = arith.cmpi eq, %iota3A, %eq3A_159 : vector<86x4096xi32>
    %mul3A_161 = vector.broadcast %select_n3A_53 : f32 to vector<86x4096xf32>
    %mul3A_162 = arith.mulf %exp3A_134, %mul3A_161 : vector<86x4096xf32>
    %eq3A_163 = arith.constant 3 : i32
    %eq3A_164 = vector.broadcast %eq3A_163 : i32 to vector<86x4096xi32>
    %eq3A_165 = arith.cmpi eq, %iota3A, %eq3A_164 : vector<86x4096xi32>
    %mul3A_166 = vector.broadcast %select_n3A_62 : f32 to vector<86x4096xf32>
    %mul3A_167 = arith.mulf %exp3A_134, %mul3A_166 : vector<86x4096xf32>
    %eq3A_168 = arith.constant 4 : i32
    %eq3A_169 = vector.broadcast %eq3A_168 : i32 to vector<86x4096xi32>
    %eq3A_170 = arith.cmpi eq, %iota3A, %eq3A_169 : vector<86x4096xi32>
    %add3A_171 = vector.broadcast %mul3A_65 : f32 to vector<86x4096xf32>
    %add3A_172 = arith.addf %get3A_69, %add3A_171 : vector<86x4096xf32>
    %select_n3A_173 = arith.select %eq3A_170, %add3A_172, %div3A_133 : vector<86x4096xi1>, vector<86x4096xf32>
    %select_n3A_174 = arith.select %eq3A_165, %mul3A_167, %select_n3A_173 : vector<86x4096xi1>, vector<86x4096xf32>
    %select_n3A_175 = arith.select %eq3A_160, %mul3A_162, %select_n3A_174 : vector<86x4096xi1>, vector<86x4096xf32>
    %select_n3A_176 = arith.select %eq3A_150, %sub3A_157, %select_n3A_175 : vector<86x4096xi1>, vector<86x4096xf32>
    %select_n3A_177 = arith.select %eq3A_140, %sub3A_147, %select_n3A_176 : vector<86x4096xi1>, vector<86x4096xf32>
    %transpose3A = tpu.transpose %select_n3A_177, [1, 0] : vector<86x4096xf32> -> vector<4096x86xf32>
    %swap3A = arith.constant 0 : index
    %swap3A_178 = arith.constant 0 : index
    %swap3A_179 = arith.constant 0 : index
    %swap3A_180 = vector.load %arg2[%swap3A, %swap3A_178, %swap3A_179] : memref<1x4096x86xf32, #tpu.memory_space<vmem>>, vector<1x4096x86xf32>
    %swap3A_181 = vector.shape_cast %swap3A_180 : vector<1x4096x86xf32> to vector<4096x86xf32>
    %swap3A_182 = vector.shape_cast %transpose3A : vector<4096x86xf32> to vector<1x4096x86xf32>
    tpu.vector_store %arg2[%swap3A, %swap3A_178, %swap3A_179], %swap3A_182 {strides = array<i32>} : memref<1x4096x86xf32, #tpu.memory_space<vmem>>, vector<1x4096x86xf32>,
    return
  }
  func.func @transform_0(%arg0: i32) -> (i32, i32, i32) {
    %c0_i32 = arith.constant 0 : i32
    %c0_i32_0 = arith.constant 0 : i32
    %c0_i32_1 = arith.constant 0 : i32
    return %arg0, %c0_i32, %c0_i32_0 : i32, i32, i32
  }
  func.func @transform_1(%arg0: i32) -> (i32, i32, i32) {
    %c0_i32 = arith.constant 0 : i32
    %c0_i32_0 = arith.constant 0 : i32
    %c0_i32_1 = arith.constant 0 : i32
    return %arg0, %c0_i32, %c0_i32_0 : i32, i32, i32
  }
}

</mosaic_0001>

<sc_bundles>
// kernel: sparse-core-data-format-call.1.cloned.1.call-start
scs
called_computation.1_lowered:
.L_overlay_start_0:
0x0: {  	s2 =	sld [smem:$0x3FD9]  }
0x1: {  	s3 =	sld [smem:$0x3FFE];
	_ =	sdelay $0x1  }
0x2: {  	s1 =	srdreg.scid  }
0x3: {  	s0 =	sand.u32 $0x1, s1  }
0x4: {  	s18 =	sshll.u32 s0, $0xA;
	s2 =	sadd.s32 s3, s2  }
0x5: {  	s2 =	sadd.s32 s2, s18  }
0x6: {  	[smem:$0x3FC7] =	sst s2  }
0x7: {  	_ = 	snop  }
0x8: {  	s2 =	sld [smem:$0x3FC9];
	(tm) =	ssettm $0x1  }
0x9: {  	s19 =	sld [smem:$0x3FFB];
	_ =	sdelay $0x3  }
0xa: {  	_ =	strace s19  }
0xb: {  	s3 =	sld [smem:$0x3FFC];
	_ =	sdelay $0x3  }
0xc: {  	_ =	strace s3  }
0xd: {  	s3 =	sld [smem:$0x3FFD];
	_ =	sdelay $0x3  }
0xe: {  	_ =	strace s3  }
0xf: {  	_ =	strace $0x8FFFFFFF  }
0x10: {  	s20 =	sld [smem:$0x3FDB];
	_ =	sdelay $0x1  }
0x11: {  	s4 =	simm.s32 $_scs_section_size  }
0x12: {  	s5 =	simm.s32 $_size__tile_overlayer_lowered;
	s6 =	simm.s32 $_tile_overlayer_lowered  }
0x13: {  	s23 =	simm.s32 $0x1BFF;
	s22 =	sshll.u32 s6, $0x1;
	s3 =	sadd.s32 s4, s20  }
0x14: {  	s7 =	simm.s32 $0x0;
	s21 =	sshll.u32 s5, $0x1;
	s5 =	sadd.s32 s22, s3  }
0x15: {  	[timem:s7], [sflag:s23] =	dma.local [hbm:s5], s21  }
0x16: {  	_ =	swait.ge [sflag:s23], s21  }
0x17: {  	s4 =	ssub.s32 $0x0, s21;
	[sflag:s23] =	ssyncset.done $0x0  }
0x18: {  	[sflag:s23] =	ssyncadd.s32 s4;
	_ =	sdelay $0x1  }
0x19: {  	s24 =	simm.s32 $0x1B8B  }
0x1a: {  	_ =	swait.ge [sflag:s24], $0x1  }
0x1b: {  	[sflag:s24] =	ssyncset.done $0x0  }
0x1c: {  	s26 =	simm.s32 $0x1B8E;
	s25 =	sld [smem:$0x3FFE];
	[sflag:s24] =	ssyncadd.s32 $0xFFFFFFFF  }
0x1d: {  	s27 =	simm.s32 $execute0_lowered;
	[smem:$0x3FD2] =	sst s26  }
0x1e: {  	s5 =	sshll.u32 s27, $0x1;
	_ =	strace $0x80000046;
	[dreg:$0x1] =	wrdreg $0xFFFFFFFF  }
0x1f: {  	s28 =	simm.s32 $_size_execute0_lowered;
	s3 =	sadd.s32 s3, s5;
	[dreg:$0x0] =	wrdreg $0x0  }
0x20: {  	s5 =	sshll.u32 s28, $0x1;
	[dreg:$0x2] =	wrdreg s3  }
0x21: {  	[dreg:$0x3] =	wrdreg s5  }
0x22: {  	[dreg:$0x4] =	wrdreg $0xC0  }
0x23: {  	_ =	task [dreg:s7], $0x5FFFF  }
0x24: {  	[dreg:$0x1] =	wrdreg $0xFFFFFFFF  }
0x25: {  	[dreg:$0x0] =	wrdreg $0x60  }
0x26: {  	[dreg:$0x2] =	wrdreg s2  }
0x27: {  	[dreg:$0x3] =	wrdreg s25  }
0x28: {  	[dreg:$0x4] =	wrdreg $0x9  }
0x29: {  	_ =	task.clear_ibuf [dreg:s7], $0x5FFFF;
	_ =	strace $0x90000046  }
0x2a: {  	s29 =	simm.s32 $0x9;
	_ =	strace $0x80000048  }
0x2b: {  	_ =	swait.ge [sflag:s29], $0x1  }
0x2c: {  	[sflag:s29] =	ssyncadd.s32 $0xFFFFFFFF  }
0x2d: {  	_ =	strace $0x90000048  }
0x2e: {  	_ =	sfence  }
0x2f: {  	s30 =	sld [smem:$0x0];
	_ =	sdelay $0x2  }
0x30: {  	s31 =	sshll.u32 s1, $0xD;
	s1 =	sshrl.u32 s1, $0x2  }
0x31: {  	s3 =	sand.u32 $0x4000, s31;
	s1 =	sadd.s32 s1, s30  }
0x32: {  	s0 =	sor.u32 s3, s0;
	s1 =	sshll.u32 s1, $0x11  }
0x33: {  	s0 =	sor.u32 s1, s0  }
0x34: {  	s0 =	sadd.s32 $0x8F2B, s0  }
0x35: {  	[sflag:s0] =	ssyncadd.remote.s32 $0x1  }
0x36: {  	_ =	sfence.sel $0xFFFF  }
0x37: {  	[dreg:$0x0] =	wrdreg $0xFFFFFFFF;
	(pc) =	sbr.abs _section_cstart, $3  }
0x38: {  	[dreg:$0x1] =	wrdreg $0xFFFFFFFF  }
0x39: {  	_ =	task.clear_ibuf [dreg:s7], $0x2FFFF;
	_ =	strace $0x9FFFFFFF  }
0x3a: {  	(tm) =	ssettm $0x7FFFFFFF  }
0x3b: {  	_ =	shalt  }
tec
execute0_lowered:
.L_overlay_start_1:
0x0: {  	(tag) =	ssettag $0x1  }
0x1: {  	s2 =	rddreg [dreg:$0x0]  }
0x2: {  	s3 =	rddreg [dreg:$0x1]  }
0x3: {  	s1 =	srdreg.scid;
	s0 =	rddreg [dreg:$0x2];
	_ =	strace $0x80000047  }
0x4: {  	s7 =	simm.s32 $0x2;
	s19 =	simm.s32 $0x0;
	p0 =	por $0x0, $0x0  }
0x5: {  	s17 =	simm.s32 $0x0;
	s18 =	simm.s32 $0x0;
	s20 =	simm.s32 $0x0  }
0x6: {  	s8 =	simm.s32 $0x0;
	s9 =	simm.s32 $0x0;
	s11 =	simm.s32 $0x0  }
0x7: {  	s12 =	simm.s32 $0x0;
	s13 =	simm.s32 $0x0;
	s14 =	simm.s32 $0x0  }
.Ltmp0:
0x8: {  	s10 =	simm.s32 $0x0;
	s4 =	sshll.u32 s1, $0x4;
	(pc) =	sbr.rel .LBB1_1-.Ltmp0, $4  }
0x9: {  	s1 =	stileid.u32;
	s3 =	sadd.s32 $0x800, s3;
	s4 =	sand.u32 $0x10, s4  }
0xa: {  	s5 =	sand.u32 $0x7, s1;
	s6 =	sor.u32 s1, s4;
	s4 =	simm.s32 $0x1  }
0xb: {  	s16 =	smov.u32 s5;
	[sflag:s4] =	ssyncpa.u1 $0x0;
	s6 =	sshrl.u32 s6, $0x3  }
0xc: {  	[sflag:s7] =	ssyncpa.u1 $0x0;
	s7 =	simm.s32 $0x2000;
	s15 =	smov.u32 s6  }
.LBB1_5:
0xd: {  	p1 =	slt.u32 s10, $0x2;
	s21 =	smov.u32 s20  }
0xe: {  	s24 =	smov.u32 s16;
	s10 =	sadd.s32 $0x1, s10;
	p2 =	sgt.s32 @!p1 s20, $0x7  }
0xf: {  	p0 =	por !p0, !p0;
	s22 =	sshra.s32 @!p1 s20, $0x1F;
	p2 =	por !p2, p1  }
0x10: {  	s23 =	sshra.s32 @!p1 s19, $0x1F;
	s20 =	sand.u32 @!p1 s22, s20;
	s21 =	simm.s32 @p2 $0x7  }
0x11: {  	s22 =	smov.u32 s19;
	p2 =	sgt.s32 @!p1 s19, $0x58C;
	s20 =	ssub.s32 @!p1 s21, s20  }
0x12: {  	s19 =	sand.u32 @!p1 s23, s19;
	p2 =	por !p2, p1;
	s21 =	sadd.s32 @!p1 $0xFFFFFFF9, s20  }
0x13: {  	s22 =	simm.s32 @p2 $0x58C;
	s20 =	ssub.s32 @!p1 $0x8, s20;
	p3 =	sgt.s32 @!p1 s21, $0x0  }
0x14: {  	s19 =	ssub.s32 @!p1 s22, s19;
	s22 =	sshra.s32 @!p1 s18, $0x1F;
	p2 =	por !p3, p1  }
0x15: {  	s21 =	sadd.s32 @!p1 $0xFFFFFA74, s19;
	p3 =	sgt.s32 @!p1 s18, $0x3F;
	s19 =	ssub.s32 @!p1 $0x60C, s19  }
0x16: {  	s20 =	simm.s32 @!p2 $0x0;
	p2 =	sgt.s32 @!p1 s21, $0x7F;
	p3 =	por !p3, p1  }
0x17: {  	s21 =	smov.u32 s18;
	s18 =	sand.u32 @!p1 s22, s18;
	s22 =	sshra.s32 @!p1 s17, $0x1F  }
0x18: {  	s21 =	simm.s32 @p3 $0x3F;
	p3 =	sgt.s32 @!p1 s17, $0x40;
	p2 =	por !p2, p1  }
0x19: {  	s18 =	ssub.s32 @!p1 s21, s18;
	p3 =	por !p3, p1;
	s21 =	smov.u32 s17  }
0x1a: {  	s17 =	sand.u32 @!p1 s22, s17;
	s22 =	sadd.s32 @!p1 $0xFFFFFFC1, s18;
	s21 =	simm.s32 @p3 $0x40  }
0x1b: {  	s18 =	ssub.s32 @!p1 $0x40, s18;
	p3 =	sgt.s32 @!p1 s22, $0x0;
	s17 =	ssub.s32 @!p1 s21, s17  }
0x1c: {  	s22 =	smov.u32 s14;
	p3 =	por !p3, p1;
	s21 =	sadd.s32 @!p1 $0xFFFFFFC0, s17  }
0x1d: {  	s17 =	ssub.s32 @!p1 $0x80, s17;
	s18 =	simm.s32 @!p3 $0x0;
	p3 =	sgt.s32 @!p1 s21, $0x3F  }
0x1e: {  	s21 =	sadd.s32 $0x80, s13;
	p3 =	por !p3, p1;
	s18 =	smul.u32 @!p1 s20, s18  }
0x1f: {  	s20 =	sadd.s32 $0x40, s14;
	s17 =	simm.s32 @!p3 $0x0;
	p3 =	sgt.s32 s21, $0x60B  }
0x20: {  	s23 =	smov.u32 s15;
	s19 =	simm.s32 @!p2 $0x0;
	s22 =	smov.u32 @p3 s20  }
0x21: {  	s17 =	smul.u32 @!p1 s17, s18;
	s18 =	sadd.s32 $0x4, s15;
	p2 =	sgt.s32 s22, $0x3F  }
0x22: {  	s25 =	simm.s32 @!p1 $0x2;
	s21 =	simm.s32 @p3 $0x0;
	s23 =	smov.u32 @p2 s18  }
0x23: {  	s20 =	smov.u32 s12;
	s18 =	sadd.s32 $0x8, s16;
	p3 =	sgt.s32 s23, $0x3F  }
0x24: {  	s12 =	smov.u32 s16;
	s17 =	smul.u32 @!p1 s19, s17;
	s24 =	smov.u32 @p3 s18  }
0x25: {  	s22 =	simm.s32 @p2 $0x0;
	s19 =	smov.u32 s8;
	p2 =	sgt.s32 s24, $0x7  }
0x26: {  	s8 =	smov.u32 s13;
	s24 =	smov.u32 @p2 s5;
	p2 =	sne.s32 s10, $0xD2  }
.Ltmp1:
0x27: {  	s13 =	smov.u32 s21;
	s17 =	sand.u32 @!p1 $0x3FFFFFFF, s17;
	(pc) =	sbr.rel @!p2 .LBB1_6-.Ltmp1, $4  }
0x28: {  	s23 =	smov.u32 @p3 s6;
	s18 =	smov.u32 s11;
	s11 =	smov.u32 s15  }
0x29: {  	_ =	swait.ge @!p1 [sflag:s25], s17;
	s26 =	ssub.s32 @!p1 $0x0, s17;
	s17 =	smov.u32 s9  }
0x2a: {  	s9 =	smov.u32 s14;
	s14 =	smov.u32 s22;
	[sflag:s25] =	ssyncset.done @!p1 $0x0  }
0x2b: {  	s15 =	smov.u32 s23;
	[sflag:s25] =	ssyncadd.s32 @!p1 s26;
	s16 =	smov.u32 s24  }
.LBB1_1:
0x2c: {  	p1 =	sgt.u32 s10, $0xCF  }
0x2d: {  	s21 =	sshrl.u32 @!p1 s14, $0x3  }
0x2e: {  	s22 =	sshll.u32 @!p1 s13, $0x3;
	s21 =	smul.u32 @!p1 $0x3400, s21  }
0x2f: {  	s23 =	sshll.u32 @!p1 s14, $0x7;
	s22 =	sand.u32 @!p1 $0xFFFFFC00, s22  }
0x30: {  	s21 =	sadd.s32 @!p1 s21, s22;
	s22 =	sand.u32 @!p1 $0x380, s23  }
0x31: {  	s23 =	sand.u32 @!p1 $0x7F, s13;
	s21 =	sor.u32 @!p1 s22, s21  }
0x32: {  	s22 =	sor.u32 @!p1 s23, s21  }
0x33: {  	s23 =	smulhi.u32 @!p1 $0x4EC4EC4F, s22  }
0x34: {  	s21 =	smulhi.u32 @!p1 $0x4EC4EC4F, s21  }
0x35: {  	s25 =	smul.u32 @!p1 $0xD0000, s16;
	s23 =	sshrl.u32 @!p1 s23, $0x9  }
0x36: {  	s24 =	sxor.u32 @!p1 $0xFFFFFFFF, s10;
	s21 =	sshrl.u32 @!p1 s21, $0x9;
	s23 =	smul.u32 @!p1 $0x680, s23  }
0x37: {  	s26 =	smul.u32 @!p1 $0x3400, s15;
	s24 =	sshll.u32 @!p1 s24, $0xD;
	s21 =	sand.u32 @!p1 $0x3F, s21  }
0x38: {  	s21 =	smul.u32 @!p1 $0xD0, s21;
	s22 =	ssub.s32 @!p1 s22, s23;
	s23 =	sadd.s32 @!p1 s2, s25  }
0x39: {  	s24 =	sand.u32 @!p1 $0x2000, s24;
	s23 =	sadd.s32 @!p1 s26, s23;
	s25 =	sand.u32 @!p1 $0x7, s22  }
0x3a: {  	s22 =	sshrl.u32 @!p1 s22, $0x3;
	s21 =	sadd.s32 @!p1 s21, s23;
	s23 =	sshll.u32 @!p1 s25, $0x12  }
0x3b: {  	s21 =	sadd.s32 @!p1 s22, s21;
	s22 =	sor.u32 @!p1 $0x400, s23;
	s23 =	simm.s32 @!p1 $0x3400  }
0x3c: {  	[tilespmem:s24], [sflag:$0x1] =	stream.strided.gather @!p1 [hbm4b:s21+s22], $0x2000, s23, s22, $0x38;
	[tilespmem:$0x8100] =	vst v63  }
0x3d: {  	p1 =	seq.s32 s10, $0x0  }
0x3e: {  	p2 =	seq.s32 @!p1 s10, $0xD1  }
0x3f: {  	p1 =	por p1, p2  }
.Ltmp2:
0x40: {  	_ = 	snop;
	(pc) =	sbr.rel @p1 .LBB1_5-.Ltmp2, $1  }
0x41: {  	_ =	sdelay $0x3  }
0x42: {  	s21 =	simm.s32 $0x1  }
0x43: {  	_ =	swait.ge [sflag:s4], $0x2000;
	s21 =	simm.s32 @!p0 $0x0  }
0x44: {  	[sflag:s4] =	ssyncset.done $0x0;
	s22 =	sshll.u32 s21, $0xD  }
0x45: {  	[sflag:s4] =	ssyncadd.s32 $0xFFFFE000;
	s22 =	sor.u32 $0x40, s22  }
0x46: {  	s21 =	smul.u32 $0x8200, s21;
	v0 =	vld [tilespmem:s22+$0x30]  }
0x47: {  	v1 =	vld [tilespmem:s22+$0xFFFFFFD0]  }
0x48: {  	s21 =	sshrl.u32 s21, $0x2;
	v5 =	vld [tilespmem:s22+$0xFFFFFFE0]  }
0x49: {  	v6 =	vld [tilespmem:s22+$0xFFFFFFF0];
	s24 =	sor.u32 $0x4000, s21  }
0x4a: {  	s31 =	sand.u32 $0x1, s10;
	v4 =	vld [tilespmem:s22+$0x0];
	s23 =	sadd.s32 $0x0, s24  }
0x4b: {  	v3 =	vld [tilespmem:s22+$0x10];
	s21 =	smul.u32 $0x8200, s31;
	[tilespmem:s23+$0x1C70 ss:$0x41] =	vst.msk $0xffff, v0  }
0x4c: {  	v2 =	vld [tilespmem:s22+$0x20];
	[tilespmem:s23+$0x410 ss:$0x41] =	vst.msk $0xffff, v1  }
0x4d: {  	s21 =	sshrl.u32 s21, $0x2;
	v1 =	vld [tilespmem:s22+$0xFFFFFFC0];
	[tilespmem:s23+$0x820 ss:$0x41] =	vst.msk $0xffff, v5;
	s22 =	sadd.s32 $0x80, s22  }
0x4e: {  	s25 =	simm.s32 $0x4;
	s26 =	simm.s32 $0x8;
	s21 =	sor.u32 $0x4000, s21;
	[tilespmem:s23+$0xC30 ss:$0x41] =	vst.msk $0xffff, v6;
	v0 =	vld [tilespmem:s22+$0x30]  }
.LBB1_3:
0x4f: {  	p1 =	sne.s32 s26, $0xFC;
	v5 =	vld [tilespmem:s22+$0xFFFFFFD0];
	[tilespmem:s23+$0x1040 ss:$0x41] =	vst.msk $0xffff, v4  }
0x50: {  	v6 =	vld [tilespmem:s22+$0xFFFFFFE0];
	[tilespmem:s23+$0x1450 ss:$0x41] =	vst.msk $0xffff, v3  }
0x51: {  	s27 =	sshra.s32 s25, $0x2;
	s25 =	smov.u32 s26;
	v7 =	vld [tilespmem:s22+$0xFFFFFFF0];
	[tilespmem:s23+$0x1860 ss:$0x41] =	vst.msk $0xffff, v2  }
.Ltmp3:
0x52: {  	v4 =	vld [tilespmem:s22+$0x0];
	[tilespmem:s23+$0x0 ss:$0x41] =	vst.msk $0xffff, v1;
	s23 =	sadd.s32 s27, s24;
	(pc) =	sbr.rel @p1 .LBB1_3-.Ltmp3, $4  }
0x53: {  	v3 =	vld [tilespmem:s22+$0x10];
	[tilespmem:s23+$0x1C70 ss:$0x41] =	vst.msk $0xffff, v0  }
0x54: {  	[tilespmem:s23+$0x410 ss:$0x41] =	vst.msk $0xffff, v5;
	v2 =	vld [tilespmem:s22+$0x20]  }
0x55: {  	v1 =	vld [tilespmem:s22+$0xFFFFFFC0];
	[tilespmem:s23+$0x820 ss:$0x41] =	vst.msk $0xffff, v6;
	s22 =	sadd.s32 $0x80, s22  }
0x56: {  	s26 =	sadd.s32 $0x4, s26;
	v0 =	vld [tilespmem:s22+$0x30];
	[tilespmem:s23+$0xC30 ss:$0x41] =	vst.msk $0xffff, v7  }
0x57: {  	p1 =	sgt.s32 s12, $0x7  }
0x58: {  	s26 =	smov.u32 s12;
	s27 =	sshra.s32 s12, $0x1F;
	s25 =	sshra.s32 s25, $0x2  }
0x59: {  	p2 =	sgt.s32 s8, $0x58C;
	s28 =	sshra.s32 s8, $0x1F;
	s29 =	smov.u32 s11  }
0x5a: {  	s30 =	sshra.s32 s11, $0x1F;
	s26 =	simm.s32 @!p1 $0x7;
	s27 =	sand.u32 s27, s12  }
0x5b: {  	s31 =	sshra.s32 s9, $0x1F;
	s24 =	sadd.s32 s25, s24;
	s26 =	ssub.s32 s26, s27  }
0x5c: {  	s25 =	sshll.u32 s11, $0x7;
	s28 =	sand.u32 s28, s8;
	s27 =	sadd.s32 $0xFFFFFFF9, s26  }
0x5d: {  	s26 =	ssub.s32 $0x8, s26;
	p1 =	sgt.s32 s27, $0x0;
	s27 =	smov.u32 s8  }
0x5e: {  	s27 =	simm.s32 @!p2 $0x58C;
	p2 =	sgt.s32 s11, $0x3F;
	s26 =	simm.s32 @p1 $0x0  }
0x5f: {  	s27 =	ssub.s32 s27, s28;
	s29 =	simm.s32 @!p2 $0x3F;
	s28 =	sand.u32 s30, s11  }
0x60: {  	p2 =	sgt.s32 s9, $0x40;
	s30 =	smov.u32 s9;
	s28 =	ssub.s32 s29, s28  }
0x61: {  	s30 =	simm.s32 @!p2 $0x40;
	s29 =	sand.u32 s31, s9;
	s31 =	sshll.u32 s9, $0x3  }
0x62: {  	v5 =	vld [tilespmem:s22+$0xFFFFFFD0];
	[tilespmem:s23+$0x1040 ss:$0x41] =	vst.msk $0xffff, v4;
	s29 =	ssub.s32 s30, s29;
	s30 =	sadd.s32 $0xFFFFFFC1, s28;
	s28 =	ssub.s32 $0x40, s28  }
0x63: {  	v58 =	vld [tilespmem:s22+$0xFFFFFFE0];
	[tilespmem:s23+$0x1450 ss:$0x41] =	vst.msk $0xffff, v3;
	s31 =	sand.u32 $0x1C00, s31;
	p2 =	sgt.s32 s30, $0x0;
	s30 =	sadd.s32 $0xFFFFFFC0, s29  }
0x64: {  	v59 =	vld [tilespmem:s22+$0xFFFFFFF0];
	[tilespmem:s23+$0x1860 ss:$0x41] =	vst.msk $0xffff, v2;
	p1 =	sgt.s32 s30, $0x3F;
	s30 =	sand.u32 $0x1C00, s25;
	s28 =	simm.s32 @p2 $0x0  }
0x65: {  	v60 =	vld [tilespmem:s22+$0x0];
	[tilespmem:s23+$0x0 ss:$0x41] =	vst.msk $0xffff, v1;
	s25 =	sand.u32 $0x380, s25;
	s23 =	smul.u32 s26, s28;
	s26 =	sadd.s32 $0xFFFFFA74, s27  }
0x66: {  	v61 =	vld [tilespmem:s22+$0x10];
	[tilespmem:s24+$0x1C70 ss:$0x41] =	vst.msk $0xffff, v0;
	s28 =	ssub.s32 $0x80, s29;
	s31 =	sadd.s32 s30, s31;
	s29 =	sshrl.u32 s9, $0x3  }
0x67: {  	v62 =	vld [tilespmem:s22+$0x20];
	[tilespmem:s24+$0x410 ss:$0x41] =	vst.msk $0xffff, v5;
	p2 =	sgt.s32 s26, $0x7F;
	s28 =	simm.s32 @p1 $0x0;
	s26 =	ssub.s32 $0x60C, s27  }
0x68: {  	v63 =	vld [tilespmem:s22+$0xFFFFFFC0];
	[tilespmem:s24+$0x820 ss:$0x41] =	vst.msk $0xffff, v58;
	s30 =	sor.u32 s25, s31;
	s31 =	smul.u32 $0x183000, s12;
	s27 =	sand.u32 $0xF, s29  }
0x69: {  	[tilespmem:s24+$0xC30 ss:$0x41] =	vst.msk $0xffff, v59;
	s23 =	smul.u32 s28, s23;
	s26 =	simm.s32 @p2 $0x0;
	s22 =	sshrl.u32 s30, $0x3  }
.Ltmp4:
0x6a: {  	[tilespmem:s24+$0x1040 ss:$0x41] =	vst.msk $0xffff, v60;
	s28 =	sshll.u32 s8, $0xA;
	s25 =	sadd.s32 s3, s31;
	(pc) =	sbr.rel .LBB1_5-.Ltmp4, $4  }
0x6b: {  	[tilespmem:s24+$0x1450 ss:$0x41] =	vst.msk $0xffff, v61;
	s30 =	sand.u32 $0x7, s9;
	s23 =	smul.u32 s26, s23;
	s25 =	sadd.s32 s28, s25  }
0x6c: {  	[tilespmem:s24+$0x1860 ss:$0x41] =	vst.msk $0xffff, v62;
	s22 =	sand.u32 $0x3F0, s22;
	s26 =	sshll.u32 s30, $0x12;
	s25 =	sadd.s32 s27, s25  }
0x6d: {  	[tilespmem:s24+$0x0 ss:$0x41] =	vst.msk $0xffff, v63;
	s31 =	sor.u32 $0x40, s26;
	s23 =	sand.u32 $0x3FFFFFFF, s23;
	s22 =	sadd.s32 s22, s25  }
0x6e: {  	[hbm4b:s22+s31] =	stream.strided.scatter [tilespmem:s21], [sflag:$0x2], s23, s7, s31, $0x18;
	[tilespmem:$0x8100] =	vst v63  }
.LBB1_6:
0x6f: {  	_ =	sfence.sel $0x180000  }
0x70: {  	s2 =	simm.s32 $0x1;
	[bflag:$0x0] =	sbarrier.arrive $0xFFFF  }
0x71: {  	s31 =	simm.s32 $0x2;
	[sflag:s2] =	ssyncpa.u1 $0x1  }
0x72: {  	[sflag:s31] =	ssyncpa.u1 $0x1  }
0x73: {  	p0 =	sne.s32 s1, $0x0;
	_ =	strace $0x90000047  }
0x74: {  	s0 =	sadd.s32 @!p0 $0x100000, s0;
	[bflag:$0x2] =	sbarrier.arrive $0xFFFF  }
0x75: {  	[sflag:s0] =	ssyncadd.tile.s32 @!p0 $0x1;
	_ =	shalt  }
.Lfunc_end1:
_tile_overlayer_lowered:
.L_overlay_start_2:
0x76: {  	(tag) =	ssettag $0x2  }
0x77: {  	s0 =	rddreg [dreg:$0x0];
	s2 =	stileid.u32  }
0x78: {  	s1 =	rddreg [dreg:$0x1];
	p0 =	sne.s32 s2, $0x0  }
0x79: {  	s3 =	rddreg [dreg:$0x2];
	[bflag:$0x3] =	sbarrier.arrive $0xFFFF;
	s2 =	simm.s32 @!p0 $0x1C01  }
0x7a: {  	[timem:s3], [sflag:s2] =	dma.local @!p0 [hbm:s0], s1  }
0x7b: {  	s0 =	simm.s32 @!p0 $0x1  }
0x7c: {  	_ =	swait.ge @!p0 [sflag:s0], s1  }
0x7d: {  	s1 =	ssub.s32 @!p0 $0x0, s1;
	[sflag:s0] =	ssyncset.done @!p0 $0x0  }
0x7e: {  	[sflag:s0] =	ssyncadd.s32 @!p0 s1  }
0x7f: {  	[bflag:$0x3] =	sbarrier.arrive $0xFFFF  }
0x80: {  	_ =	shalt  }

// kernel: sparse-core-data-format-call.cloned.1.call-start
scs
called_computation_lowered:
.L_overlay_start_0:
0x0: {  	s2 =	sld [smem:$0x3FD9]  }
0x1: {  	s3 =	sld [smem:$0x3FFE];
	_ =	sdelay $0x1  }
0x2: {  	s1 =	srdreg.scid  }
0x3: {  	s0 =	sand.u32 $0x1, s1  }
0x4: {  	s18 =	sshll.u32 s0, $0xA;
	s2 =	sadd.s32 s3, s2  }
0x5: {  	s2 =	sadd.s32 s2, s18  }
0x6: {  	[smem:$0x3FC7] =	sst s2  }
0x7: {  	_ = 	snop  }
0x8: {  	s2 =	sld [smem:$0x3FD0];
	(tm) =	ssettm $0x1  }
0x9: {  	s19 =	sld [smem:$0x3FFB];
	_ =	sdelay $0x3  }
0xa: {  	_ =	strace s19  }
0xb: {  	s3 =	sld [smem:$0x3FFC];
	_ =	sdelay $0x3  }
0xc: {  	_ =	strace s3  }
0xd: {  	s3 =	sld [smem:$0x3FFD];
	_ =	sdelay $0x3  }
0xe: {  	_ =	strace s3  }
0xf: {  	_ =	strace $0x8FFFFFFF  }
0x10: {  	s20 =	sld [smem:$0x3FDB];
	_ =	sdelay $0x1  }
0x11: {  	s4 =	simm.s32 $_scs_section_size  }
0x12: {  	s5 =	simm.s32 $_size__tile_overlayer_lowered;
	s6 =	simm.s32 $_tile_overlayer_lowered  }
0x13: {  	s23 =	simm.s32 $0x1BFF;
	s22 =	sshll.u32 s6, $0x1;
	s3 =	sadd.s32 s4, s20  }
0x14: {  	s7 =	simm.s32 $0x0;
	s21 =	sshll.u32 s5, $0x1;
	s5 =	sadd.s32 s22, s3  }
0x15: {  	[timem:s7], [sflag:s23] =	dma.local [hbm:s5], s21  }
0x16: {  	_ =	swait.ge [sflag:s23], s21  }
0x17: {  	s4 =	ssub.s32 $0x0, s21;
	[sflag:s23] =	ssyncset.done $0x0  }
0x18: {  	[sflag:s23] =	ssyncadd.s32 s4;
	_ =	sdelay $0x1  }
0x19: {  	s24 =	simm.s32 $0x1B8B  }
0x1a: {  	_ =	swait.ge [sflag:s24], $0x1  }
0x1b: {  	[sflag:s24] =	ssyncset.done $0x0  }
0x1c: {  	s26 =	simm.s32 $0x1B8E;
	s25 =	sld [smem:$0x3FFE];
	[sflag:s24] =	ssyncadd.s32 $0xFFFFFFFF  }
0x1d: {  	s27 =	simm.s32 $execute0_lowered;
	[smem:$0x3FD2] =	sst s26  }
0x1e: {  	s5 =	sshll.u32 s27, $0x1;
	_ =	strace $0x80000049;
	[dreg:$0x1] =	wrdreg $0xFFFFFFFF  }
0x1f: {  	s28 =	simm.s32 $_size_execute0_lowered;
	s3 =	sadd.s32 s3, s5;
	[dreg:$0x0] =	wrdreg $0x0  }
0x20: {  	s5 =	sshll.u32 s28, $0x1;
	[dreg:$0x2] =	wrdreg s3  }
0x21: {  	[dreg:$0x3] =	wrdreg s5  }
0x22: {  	[dreg:$0x4] =	wrdreg $0xC0  }
0x23: {  	_ =	task [dreg:s7], $0x5FFFF  }
0x24: {  	[dreg:$0x1] =	wrdreg $0xFFFFFFFF  }
0x25: {  	[dreg:$0x0] =	wrdreg $0x60  }
0x26: {  	[dreg:$0x2] =	wrdreg s25  }
0x27: {  	[dreg:$0x3] =	wrdreg s2  }
0x28: {  	[dreg:$0x4] =	wrdreg $0x9  }
0x29: {  	_ =	task.clear_ibuf [dreg:s7], $0x5FFFF;
	_ =	strace $0x90000049  }
0x2a: {  	s29 =	simm.s32 $0x9;
	_ =	strace $0x8000004B  }
0x2b: {  	_ =	swait.ge [sflag:s29], $0x1  }
0x2c: {  	[sflag:s29] =	ssyncadd.s32 $0xFFFFFFFF  }
0x2d: {  	_ =	strace $0x9000004B  }
0x2e: {  	_ =	sfence  }
0x2f: {  	s30 =	sld [smem:$0x0];
	_ =	sdelay $0x2  }
0x30: {  	s31 =	sshll.u32 s1, $0xD;
	s1 =	sshrl.u32 s1, $0x2  }
0x31: {  	s3 =	sand.u32 $0x4000, s31;
	s1 =	sadd.s32 s1, s30  }
0x32: {  	s0 =	sor.u32 s3, s0;
	s1 =	sshll.u32 s1, $0x11  }
0x33: {  	s0 =	sor.u32 s1, s0  }
0x34: {  	s0 =	sadd.s32 $0x8F2B, s0  }
0x35: {  	[sflag:s0] =	ssyncadd.remote.s32 $0x1  }
0x36: {  	_ =	sfence.sel $0xFFFF  }
0x37: {  	[dreg:$0x0] =	wrdreg $0xFFFFFFFF;
	(pc) =	sbr.abs _section_cstart, $3  }
0x38: {  	[dreg:$0x1] =	wrdreg $0xFFFFFFFF  }
0x39: {  	_ =	task.clear_ibuf [dreg:s7], $0x2FFFF;
	_ =	strace $0x9FFFFFFF  }
0x3a: {  	(tm) =	ssettm $0x7FFFFFFF  }
0x3b: {  	_ =	shalt  }
tec
execute0_lowered:
.L_overlay_start_1:
0x0: {  	(tag) =	ssettag $0x1  }
0x1: {  	s0 =	stileid.u32  }
0x2: {  	s1 =	srdreg.scid;
	s4 =	rddreg [dreg:$0x0];
	s8 =	simm.s32 $0x1  }
0x3: {  	s9 =	simm.s32 $0x2;
	s15 =	simm.s32 $0x0;
	s16 =	simm.s32 $0x0  }
0x4: {  	s10 =	simm.s32 $0x0;
	s2 =	sshll.u32 s0, $0x4;
	s1 =	sshll.u32 s1, $0x8  }
0x5: {  	s11 =	simm.s32 $0x0;
	s14 =	simm.s32 $0x0;
	s1 =	sor.u32 s2, s1  }
0x6: {  	s4 =	sadd.s32 $0x800, s4;
	s5 =	sand.u32 $0x7, s0;
	s3 =	sand.u32 $0x180, s1  }
0x7: {  	s2 =	rddreg [dreg:$0x1];
	s13 =	smov.u32 s5;
	s7 =	ssub.s32 $0x12000, s3  }
.Ltmp0:
0x8: {  	s1 =	rddreg [dreg:$0x2];
	s6 =	sand.u32 $0x180, s7;
	(pc) =	sbr.rel .LBB1_1-.Ltmp0, $4  }
0x9: {  	_ =	strace $0x8000004A;
	s12 =	smov.u32 s3;
	p0 =	sne.s32 s6, $0x0  }
0xa: {  	s7 =	sshrl.u32 s7, $0x9;
	s6 =	simm.s32 $0x1;
	s8 =	simm.s32 @!p0 $0x0  }
0xb: {  	[sflag:s6] =	ssyncpa.u1 $0x0;
	p0 =	por $0x0, $0x0;
	s7 =	sadd.s32 s8, s7  }
0xc: {  	[sflag:s9] =	ssyncpa.u1 $0x0;
	s9 =	simm.s32 $0x90000;
	s8 =	sadd.s32 $0x1, s7  }
.LBB1_4:
0xd: {  	s22 =	sshrl.u32 s11, $0x3;
	s23 =	sshll.u32 s10, $0x3  }
0xe: {  	s24 =	sshll.u32 s11, $0x7;
	s25 =	sand.u32 $0x7F, s10;
	s21 =	sshra.s32 s21, $0x2  }
0xf: {  	p1 =	sgt.s32 s11, $0x7;
	s30 =	sshra.s32 s11, $0x1F;
	s26 =	sshra.s32 s10, $0x1F  }
0x10: {  	s22 =	smul.u32 $0x90000, s22;
	s23 =	sand.u32 $0xFFFFFC00, s23;
	s24 =	sand.u32 $0x380, s24  }
0x11: {  	s20 =	sadd.s32 s21, s20;
	s21 =	smov.u32 s11;
	s26 =	sand.u32 s26, s10  }
0x12: {  	v5 =	vld [tilespmem:s18+$0xFFFFFFD0];
	[tilespmem:s19+$0x2040 ss:$0x81] =	vst.msk $0xffff, v4;
	s28 =	sor.u32 s25, s24;
	s21 =	simm.s32 @!p1 $0x7;
	s25 =	sand.u32 s30, s11  }
0x13: {  	v58 =	vld [tilespmem:s18+$0xFFFFFFE0];
	[tilespmem:s19+$0x2850 ss:$0x81] =	vst.msk $0xffff, v3;
	p1 =	sgt.s32 s10, $0x11F80;
	s22 =	sadd.s32 s22, s23;
	s21 =	ssub.s32 s21, s25  }
0x14: {  	v59 =	vld [tilespmem:s18+$0xFFFFFFF0];
	[tilespmem:s19+$0x3060 ss:$0x81] =	vst.msk $0xffff, v2;
	s25 =	smov.u32 s10;
	s23 =	sor.u32 s22, s28;
	s31 =	smulhi.u32 $0x38E38E39, s22  }
0x15: {  	[tilespmem:s19+$0x0 ss:$0x81] =	vst.msk $0xffff, v1;
	v60 =	vld [tilespmem:s18+$0x0];
	s25 =	simm.s32 @!p1 $0x11F80;
	s27 =	sadd.s32 $0xFFFFFFF9, s21;
	s29 =	smulhi.u32 $0x38E38E39, s23  }
0x16: {  	v61 =	vld [tilespmem:s18+$0x10];
	[tilespmem:s20+$0x3870 ss:$0x81] =	vst.msk $0xffff, v0;
	s21 =	ssub.s32 $0x8, s21;
	s22 =	ssub.s32 s25, s26;
	p1 =	sgt.s32 s27, $0x0  }
0x17: {  	v62 =	vld [tilespmem:s18+$0x20];
	[tilespmem:s20+$0x810 ss:$0x81] =	vst.msk $0xffff, v5;
	s21 =	smul.u32 $0x56, s21;
	s28 =	sadd.s32 $0xFFFEE080, s22;
	s24 =	sshrl.u32 s29, $0xE  }
0x18: {  	v63 =	vld [tilespmem:s18+$0xFFFFFFC0];
	[tilespmem:s20+$0x1020 ss:$0x81] =	vst.msk $0xffff, v58;
	s22 =	ssub.s32 $0x12000, s22;
	s19 =	sshrl.u32 s31, $0xE;
	s29 =	smul.u32 $0x12000, s24  }
0x19: {  	[tilespmem:s20+$0x1830 ss:$0x81] =	vst.msk $0xffff, v59;
	p2 =	sgt.s32 s28, $0x7F;
	s21 =	simm.s32 @p1 $0x0;
	s19 =	sand.u32 $0x7, s19  }
0x1a: {  	[tilespmem:s20+$0x2040 ss:$0x81] =	vst.msk $0xffff, v60;
	s22 =	simm.s32 @p2 $0x0;
	s19 =	smul.u32 $0x2400, s19;
	s18 =	ssub.s32 s23, s29  }
0x1b: {  	[tilespmem:s20+$0x2850 ss:$0x81] =	vst.msk $0xffff, v61;
	s21 =	smul.u32 s22, s21;
	s30 =	sshrl.u32 s18, $0x3;
	s18 =	sand.u32 $0x7, s18  }
0x1c: {  	[tilespmem:s20+$0x3060 ss:$0x81] =	vst.msk $0xffff, v62;
	s22 =	sadd.s32 s2, s30;
	s18 =	sshll.u32 s18, $0x12  }
0x1d: {  	[tilespmem:s20+$0x0 ss:$0x81] =	vst.msk $0xffff, v63;
	s31 =	sand.u32 $0x3FFFFFFE, s21;
	s19 =	sadd.s32 s19, s22;
	s18 =	sor.u32 $0x80, s18  }
0x1e: {  	[hbm4b:s19+s18] =	stream.strided.scatter [tilespmem:s17], [sflag:$0x2], s31, s9, s18, $0x20;
	[tilespmem:$0x10100] =	vst v63  }
.LBB1_5:
0x1f: {  	p1 =	slt.u32 s14, $0x2  }
0x20: {  	s18 =	smov.u32 s16;
	p2 =	sgt.s32 @!p1 s16, $0x7;
	s17 =	sshra.s32 @!p1 s16, $0x1F  }
0x21: {  	p3 =	sgt.s32 @!p1 s15, $0x11F80;
	s19 =	sshra.s32 @!p1 s15, $0x1F;
	p2 =	por !p2, p1  }
0x22: {  	s16 =	sand.u32 @!p1 s17, s16;
	p3 =	por !p3, p1;
	s17 =	smov.u32 s15  }
0x23: {  	s15 =	sand.u32 @!p1 s19, s15;
	s18 =	simm.s32 @p2 $0x7;
	s17 =	simm.s32 @p3 $0x11F80  }
0x24: {  	s19 =	smov.u32 s13;
	s16 =	ssub.s32 @!p1 s18, s16;
	s15 =	ssub.s32 @!p1 s17, s15  }
0x25: {  	s17 =	sadd.s32 @!p1 $0xFFFFFFF9, s16;
	s16 =	ssub.s32 @!p1 $0x8, s16;
	s18 =	sadd.s32 @!p1 $0xFFFEE080, s15  }
0x26: {  	p2 =	sgt.s32 @!p1 s17, $0x0;
	s16 =	smul.u32 @!p1 $0x56, s16;
	p3 =	sgt.s32 @!p1 s18, $0x7F  }
0x27: {  	s15 =	ssub.s32 @!p1 $0x12000, s15;
	p2 =	por !p2, p1;
	p3 =	por !p3, p1  }
0x28: {  	s17 =	sadd.s32 $0x200, s12;
	s16 =	simm.s32 @!p2 $0x0;
	s15 =	simm.s32 @!p3 $0x0  }
0x29: {  	p2 =	sgt.s32 s17, $0x11FFF;
	s15 =	smul.u32 @!p1 s15, s16;
	s16 =	sadd.s32 $0x8, s13  }
0x2a: {  	s19 =	smov.u32 @p2 s16  }
0x2b: {  	s17 =	smov.u32 @p2 s3;
	p2 =	sgt.s32 s19, $0x7  }
0x2c: {  	s19 =	smov.u32 @p2 s5;
	p2 =	sne.s32 s14, s8  }
.Ltmp1:
0x2d: {  	p0 =	por !p0, !p0;
	s18 =	simm.s32 @!p1 $0x2;
	(pc) =	sbr.rel @!p2 .LBB1_6-.Ltmp1, $4  }
0x2e: {  	s16 =	smov.u32 s11;
	s11 =	smov.u32 s13;
	s15 =	sand.u32 @!p1 $0x3FFFFFFE, s15  }
0x2f: {  	_ =	swait.ge @!p1 [sflag:s18], s15;
	s20 =	ssub.s32 @!p1 $0x0, s15;
	s15 =	smov.u32 s10  }
0x30: {  	s14 =	sadd.s32 $0x1, s14;
	s10 =	smov.u32 s12;
	[sflag:s18] =	ssyncset.done @!p1 $0x0  }
0x31: {  	s12 =	smov.u32 s17;
	s13 =	smov.u32 s19;
	[sflag:s18] =	ssyncadd.s32 @!p1 s20  }
.LBB1_1:
0x32: {  	p1 =	sge.u32 s14, s7  }
0x33: {  	s17 =	sand.u32 @!p1 $0x1FFFFFF, s12  }
0x34: {  	s18 =	smulhi.u32 @!p1 $0xE38E39, s17;
	_ =	sdelay $0x1  }
0x35: {  	s18 =	sshrl.u32 @!p1 s18, $0x8  }
0x36: {  	s18 =	smul.u32 @!p1 $0x12000, s18  }
0x37: {  	s19 =	smul.u32 @!p1 $0x120000, s13  }
0x38: {  	s31 =	sadd.s32 $0xFFFFFFFF, s14;
	s17 =	ssub.s32 @!p1 s17, s18;
	s18 =	sxor.u32 @!p1 $0xFFFFFFFF, s14  }
0x39: {  	s19 =	sadd.s32 @!p1 s4, s19;
	s18 =	sshll.u32 @!p1 s18, $0xE;
	s17 =	sshll.u32 @!p1 s17, $0x4  }
0x3a: {  	s18 =	sand.u32 @!p1 $0x4000, s18;
	s17 =	sadd.s32 @!p1 s17, s19;
	s19 =	simm.s32 @!p1 $0x0  }
0x3b: {  	[tilespmem:s18], [sflag:$0x1] =	stream.linear.gather @!p1 [hbm4b:s17+s19], $0x4000, $0x38;
	[tilespmem:$0x10100] =	vst v63  }
0x3c: {  	p1 =	sge.u32 s31, s7  }
.Ltmp2:
0x3d: {  	_ = 	snop;
	(pc) =	sbr.rel @p1 .LBB1_5-.Ltmp2, $1  }
0x3e: {  	_ =	sdelay $0x3  }
0x3f: {  	s17 =	simm.s32 $0x1  }
0x40: {  	_ =	swait.ge [sflag:s6], $0x4000;
	s17 =	simm.s32 @!p0 $0x0  }
0x41: {  	[sflag:s6] =	ssyncset.done $0x0;
	s18 =	sshll.u32 s17, $0xE  }
0x42: {  	[sflag:s6] =	ssyncadd.s32 $0xFFFFC000;
	s18 =	sor.u32 $0x40, s18  }
0x43: {  	s17 =	smul.u32 $0x10200, s17;
	v0 =	vld [tilespmem:s18+$0x30]  }
0x44: {  	v1 =	vld [tilespmem:s18+$0xFFFFFFD0]  }
0x45: {  	s17 =	sshrl.u32 s17, $0x2;
	v5 =	vld [tilespmem:s18+$0xFFFFFFE0]  }
0x46: {  	v6 =	vld [tilespmem:s18+$0xFFFFFFF0];
	s20 =	sor.u32 $0x8000, s17  }
0x47: {  	s31 =	sand.u32 $0x1, s14;
	v4 =	vld [tilespmem:s18+$0x0];
	s19 =	sadd.s32 $0x0, s20  }
0x48: {  	v3 =	vld [tilespmem:s18+$0x10];
	s17 =	smul.u32 $0x10200, s31;
	[tilespmem:s19+$0x3870 ss:$0x81] =	vst.msk $0xffff, v0  }
0x49: {  	v2 =	vld [tilespmem:s18+$0x20];
	[tilespmem:s19+$0x810 ss:$0x81] =	vst.msk $0xffff, v1  }
0x4a: {  	s17 =	sshrl.u32 s17, $0x2;
	v1 =	vld [tilespmem:s18+$0xFFFFFFC0];
	[tilespmem:s19+$0x1020 ss:$0x81] =	vst.msk $0xffff, v5;
	s18 =	sadd.s32 $0x80, s18  }
0x4b: {  	s21 =	simm.s32 $0x4;
	s22 =	simm.s32 $0x8;
	s17 =	sor.u32 $0x8000, s17;
	[tilespmem:s19+$0x1830 ss:$0x81] =	vst.msk $0xffff, v6;
	v0 =	vld [tilespmem:s18+$0x30]  }
.LBB1_3:
0x4c: {  	p1 =	sne.s32 s22, $0x1FC;
	v5 =	vld [tilespmem:s18+$0xFFFFFFD0];
	[tilespmem:s19+$0x2040 ss:$0x81] =	vst.msk $0xffff, v4  }
0x4d: {  	v6 =	vld [tilespmem:s18+$0xFFFFFFE0];
	[tilespmem:s19+$0x2850 ss:$0x81] =	vst.msk $0xffff, v3  }
0x4e: {  	s23 =	sshra.s32 s21, $0x2;
	s21 =	smov.u32 s22;
	v7 =	vld [tilespmem:s18+$0xFFFFFFF0];
	[tilespmem:s19+$0x3060 ss:$0x81] =	vst.msk $0xffff, v2  }
.Ltmp3:
0x4f: {  	v4 =	vld [tilespmem:s18+$0x0];
	[tilespmem:s19+$0x0 ss:$0x81] =	vst.msk $0xffff, v1;
	s19 =	sadd.s32 s23, s20;
	(pc) =	sbr.rel @p1 .LBB1_3-.Ltmp3, $4  }
0x50: {  	v3 =	vld [tilespmem:s18+$0x10];
	[tilespmem:s19+$0x3870 ss:$0x81] =	vst.msk $0xffff, v0  }
0x51: {  	[tilespmem:s19+$0x810 ss:$0x81] =	vst.msk $0xffff, v5;
	v2 =	vld [tilespmem:s18+$0x20]  }
0x52: {  	v1 =	vld [tilespmem:s18+$0xFFFFFFC0];
	[tilespmem:s19+$0x1020 ss:$0x81] =	vst.msk $0xffff, v6;
	s18 =	sadd.s32 $0x80, s18  }
0x53: {  	s22 =	sadd.s32 $0x4, s22;
	v0 =	vld [tilespmem:s18+$0x30];
	[tilespmem:s19+$0x1830 ss:$0x81] =	vst.msk $0xffff, v7  }
.Ltmp4:
0x54: {  	_ = 	snop;
	(pc) =	sbr.rel .LBB1_4-.Ltmp4, $1  }
0x55: {  	_ =	sdelay $0x3  }
.LBB1_6:
0x56: {  	_ =	sfence.sel $0x180000  }
0x57: {  	s2 =	simm.s32 $0x1;
	[bflag:$0x0] =	sbarrier.arrive $0xFFFF  }
0x58: {  	s31 =	simm.s32 $0x2;
	[sflag:s2] =	ssyncpa.u1 $0x1  }
0x59: {  	[sflag:s31] =	ssyncpa.u1 $0x1  }
0x5a: {  	p0 =	sne.s32 s0, $0x0;
	_ =	strace $0x9000004A  }
0x5b: {  	s0 =	sadd.s32 @!p0 $0x100000, s1;
	[bflag:$0x2] =	sbarrier.arrive $0xFFFF  }
0x5c: {  	[sflag:s0] =	ssyncadd.tile.s32 @!p0 $0x1;
	_ =	shalt  }
.Lfunc_end1:
_tile_overlayer_lowered:
.L_overlay_start_2:
0x5d: {  	(tag) =	ssettag $0x2  }
0x5e: {  	s0 =	rddreg [dreg:$0x0];
	s2 =	stileid.u32  }
0x5f: {  	s1 =	rddreg [dreg:$0x1];
	p0 =	sne.s32 s2, $0x0  }
0x60: {  	s3 =	rddreg [dreg:$0x2];
	[bflag:$0x3] =	sbarrier.arrive $0xFFFF;
	s2 =	simm.s32 @!p0 $0x1C01  }
0x61: {  	[timem:s3], [sflag:s2] =	dma.local @!p0 [hbm:s0], s1  }
0x62: {  	s0 =	simm.s32 @!p0 $0x1  }
0x63: {  	_ =	swait.ge @!p0 [sflag:s0], s1  }
0x64: {  	s1 =	ssub.s32 @!p0 $0x0, s1;
	[sflag:s0] =	ssyncset.done @!p0 $0x0  }
0x65: {  	[sflag:s0] =	ssyncadd.s32 @!p0 s1  }
0x66: {  	[bflag:$0x3] =	sbarrier.arrive $0xFFFF  }
0x67: {  	_ =	shalt  }

</sc_bundles>
